<compile_context>
chip_gen: v7x
topology: tpu7x:2x2x1
jax: 0.10.2.dev20260603
libtpu: 0.0.44.dev20260713+nightly
codegen_flags: <defaults>
</compile_context>

<pallas_src>
import functools

import jax
import jax.numpy as jnp
from jax import lax
from jax.experimental import pallas as pl
from jax.experimental.pallas import tpu as pltpu
from jax.experimental.pallas import tpu_sc as plsc

N = 10000
D = 128
HD = D // 2
E = 320000

NUM_CORES = 2
NUM_SUBCORES = 16
NUM_TILES = NUM_CORES * NUM_SUBCORES

N_PAD = 10240
E_PAD = 327680
EDGES_PER_TILE = E_PAD // NUM_TILES
CHUNK = 128
AGGW = 256
AGG_STEPS = EDGES_PER_TILE // AGGW
ROWS_PER_SUBCORE = N_PAD // NUM_SUBCORES

BLK = 2560
GRID = N_PAD // BLK


def _mesh():
    return plsc.VectorSubcoreMesh(core_axis_name="c", subcore_axis_name="s")


def _zero_vmem_2d(ref, rows, cols, dtype=jnp.float32):
    lanes = 32 if dtype == jnp.bfloat16 else 16

    @pl.loop(0, rows)
    def _(r):
        @pl.loop(0, cols, step=lanes)
        def _(j):
            ref[r, pl.ds(j, lanes)] = jnp.zeros((lanes,), dtype)


@jax.jit
def _sc_degree(dst2d, ones_rows):

    @functools.partial(
        pl.kernel,
        out_type=jax.ShapeDtypeStruct((NUM_CORES, N_PAD, 16), jnp.float32),
        mesh=_mesh(),
        compiler_params=pltpu.CompilerParams(use_tc_tiling_on_sc=False),
        scratch_types=[
            pltpu.VMEM((EDGES_PER_TILE,), jnp.int32),
            pltpu.VMEM((AGGW, 16), jnp.float32),
            pltpu.VMEM((CHUNK, 16), jnp.float32),
            pltpu.VMEM_SHARED((N_PAD, 16), jnp.float32),
        ],
    )
    def deg_kernel(dst_hbm, ones_hbm, out_hbm, idx_v, ones_v, zbuf_v, acc_sh):
        c = lax.axis_index("c")
        s = lax.axis_index("s")
        wid = c * NUM_SUBCORES + s

        _zero_vmem_2d(zbuf_v, CHUNK, 16)
        base_row = s * ROWS_PER_SUBCORE

        @pl.loop(0, ROWS_PER_SUBCORE, step=CHUNK)
        def _(j):
            pltpu.sync_copy(zbuf_v, acc_sh.at[pl.ds(base_row + j, CHUNK)])

        pltpu.sync_copy(ones_hbm, ones_v)
        pltpu.sync_copy(
            dst_hbm.at[pl.ds(wid * EDGES_PER_TILE, EDGES_PER_TILE)], idx_v)
        plsc.subcore_barrier()

        @pl.loop(0, AGG_STEPS)
        def _(k):
            pltpu.sync_copy(ones_v, acc_sh.at[idx_v.at[pl.ds(k * AGGW, AGGW)]],
                            add=True)

        plsc.subcore_barrier()
        pltpu.sync_copy(
            acc_sh.at[pl.ds(base_row, ROWS_PER_SUBCORE)],
            out_hbm.at[c, pl.ds(base_row, ROWS_PER_SUBCORE)],
        )

    return deg_kernel(dst2d, ones_rows)


@jax.jit
def _sc_aggregate(y, src2d, dst2d):

    @functools.partial(
        pl.kernel,
        out_type=jax.ShapeDtypeStruct((NUM_CORES, N_PAD, D), jnp.bfloat16),
        mesh=_mesh(),
        compiler_params=pltpu.CompilerParams(use_tc_tiling_on_sc=False),
        scratch_types=[
            pltpu.VMEM((EDGES_PER_TILE,), jnp.int32),
            pltpu.VMEM((EDGES_PER_TILE,), jnp.int32),
            pltpu.VMEM((AGGW, D), jnp.bfloat16),
            pltpu.VMEM((AGGW, D), jnp.bfloat16),
            pltpu.VMEM((CHUNK, D), jnp.bfloat16),
            pltpu.VMEM_SHARED((N_PAD, D), jnp.bfloat16),
            pltpu.SemaphoreType.DMA,
            pltpu.SemaphoreType.DMA,
        ],
    )
    def agg_kernel(y_hbm, src_hbm, dst_hbm, out_hbm,
                   isrc_v, idst_v, rows_a, rows_b, zbuf_v, acc_sh,
                   sem_a, sem_b):
        c = lax.axis_index("c")
        s = lax.axis_index("s")
        wid = c * NUM_SUBCORES + s
        base_row = s * ROWS_PER_SUBCORE

        _zero_vmem_2d(zbuf_v, CHUNK, D, jnp.bfloat16)

        ebase = wid * EDGES_PER_TILE
        pltpu.sync_copy(src_hbm.at[pl.ds(ebase, EDGES_PER_TILE)], isrc_v)
        pltpu.sync_copy(dst_hbm.at[pl.ds(ebase, EDGES_PER_TILE)], idst_v)

        @pl.loop(0, ROWS_PER_SUBCORE, step=CHUNK)
        def _(j):
            pltpu.sync_copy(zbuf_v, acc_sh.at[pl.ds(base_row + j, CHUNK)])

        plsc.subcore_barrier()

        pltpu.make_async_copy(
            y_hbm.at[isrc_v.at[pl.ds(0, AGGW)]], rows_a, sem_a).start()
        pltpu.make_async_copy(
            y_hbm.at[isrc_v.at[pl.ds(AGGW, AGGW)]], rows_b, sem_b).start()

        @pl.loop(0, AGG_STEPS, step=2)
        def _(k):
            for off, buf, sem in ((0, rows_a, sem_a), (1, rows_b, sem_b)):
                kk = (k + off) * AGGW
                pltpu.make_async_copy(
                    y_hbm.at[isrc_v.at[pl.ds(kk, AGGW)]], buf, sem).wait()
                pltpu.sync_copy(buf, acc_sh.at[idst_v.at[pl.ds(kk, AGGW)]],
                                add=True)

                @pl.when(kk + 2 * AGGW < EDGES_PER_TILE)
                def _():
                    pltpu.make_async_copy(
                        y_hbm.at[isrc_v.at[pl.ds(kk + 2 * AGGW, AGGW)]], buf,
                        sem).start()

        plsc.subcore_barrier()
        pltpu.sync_copy(
            acc_sh.at[pl.ds(base_row, ROWS_PER_SUBCORE)],
            out_hbm.at[c, pl.ds(base_row, ROWS_PER_SUBCORE)],
        )

    return agg_kernel(y, src2d, dst2d)


def _dinv_col(deg_ref, blk_i):
    deg = deg_ref[0] + deg_ref[1] + 1.0
    rowid = blk_i * BLK + lax.broadcasted_iota(jnp.int32, (BLK, 16), 0)
    dinv = jnp.where(rowid < N, lax.rsqrt(deg), 0.0)
    return dinv[:, 0:1]


def _xp_gram_body(x_ref, w_ref, xp_ref, g_ref):
    xp = lax.dot_general(x_ref[...], w_ref[...],
                         dimension_numbers=(((1,), (1,)), ((), ())),
                         preferred_element_type=jnp.float32,
                         precision=lax.Precision.DEFAULT)
    xp_ref[...] = xp

    @pl.when(pl.program_id(0) == 0)
    def _():
        g_ref[...] = jnp.zeros((D, D), jnp.float32)

    g_ref[...] += lax.dot_general(xp, xp,
                                  dimension_numbers=(((0,), (0,)), ((), ())),
                                  preferred_element_type=jnp.float32,
                                  precision=lax.Precision.DEFAULT)


@jax.jit
def _tc_xp_gram(x_pad, W1):
    return pl.pallas_call(
        _xp_gram_body,
        grid=(GRID,),
        in_specs=[
            pl.BlockSpec((BLK, D), lambda i: (i, 0)),
            pl.BlockSpec((D, D), lambda i: (0, 0)),
        ],
        out_specs=[
            pl.BlockSpec((BLK, D), lambda i: (i, 0)),
            pl.BlockSpec((D, D), lambda i: (0, 0)),
        ],
        out_shape=[
            jax.ShapeDtypeStruct((N_PAD, D), jnp.float32),
            jax.ShapeDtypeStruct((D, D), jnp.float32),
        ],
    )(x_pad, W1)


def _y_body(xp_ref, deg_ref, y_ref):
    y_ref[...] = (xp_ref[...] * _dinv_col(deg_ref, pl.program_id(0))
                  ).astype(jnp.bfloat16)


@jax.jit
def _tc_y(xp, degp):
    return pl.pallas_call(
        _y_body,
        grid=(GRID,),
        in_specs=[
            pl.BlockSpec((BLK, D), lambda i: (i, 0)),
            pl.BlockSpec((NUM_CORES, BLK, 16), lambda i: (0, i, 0)),
        ],
        out_specs=pl.BlockSpec((BLK, D), lambda i: (i, 0)),
        out_shape=jax.ShapeDtypeStruct((N_PAD, D), jnp.bfloat16),
    )(xp, degp)


def _gram_body(xp_ref, g_ref):
    @pl.when(pl.program_id(0) == 0)
    def _():
        g_ref[...] = jnp.zeros((D, D), jnp.float32)

    xb = xp_ref[...]
    g_ref[...] += lax.dot_general(xb, xb,
                                  dimension_numbers=(((0,), (0,)), ((), ())),
                                  preferred_element_type=jnp.float32,
                                  precision=lax.Precision.DEFAULT)


@jax.jit
def _tc_gram(xp):
    return pl.pallas_call(
        _gram_body,
        grid=(GRID,),
        in_specs=[pl.BlockSpec((BLK, D), lambda i: (i, 0))],
        out_specs=pl.BlockSpec((D, D), lambda i: (0, 0)),
        out_shape=jax.ShapeDtypeStruct((D, D), jnp.float32),
    )(xp)


def _combine_core(xp_ref, y_ref, parts_ref, deg_ref, gmat_ref, gate_ref,
                  b_ref, i):
    zeta, eta, theta = gate_ref[0], gate_ref[1], gate_ref[2]
    xp = xp_ref[...]
    dcol = _dinv_col(deg_ref, i)
    psum = (parts_ref[0].astype(jnp.float32)
            + parts_ref[1].astype(jnp.float32))
    agg = dcol * (psum + y_ref[...].astype(jnp.float32))
    red = lax.dot_general(xp, gmat_ref[...],
                          dimension_numbers=(((1,), (0,)), ((), ())),
                          preferred_element_type=jnp.float32,
                          precision=lax.Precision.DEFAULT)
    return zeta * xp + eta * agg - theta * red + b_ref[...], dcol


def _mid_body(xp_ref, y_ref, parts_ref, deg_ref, gmat_ref, gate_ref, b_ref,
              gam_ref, bet_ref, mu_ref, var_ref, wn_ref, xpn_ref, yn_ref):
    i = pl.program_id(0)
    out, dcol = _combine_core(xp_ref, y_ref, parts_ref, deg_ref, gmat_ref,
                              gate_ref, b_ref, i)
    h = (out - mu_ref[...]) * lax.rsqrt(var_ref[...] + 1e-5) * gam_ref[...] \
        + bet_ref[...]
    h = jnp.maximum(h, 0.0)
    rowid = i * BLK + lax.broadcasted_iota(jnp.int32, (BLK, D), 0)
    h = jnp.where(rowid < N, h, 0.0)
    xpn = lax.dot_general(h, wn_ref[...],
                          dimension_numbers=(((1,), (1,)), ((), ())),
                          preferred_element_type=jnp.float32,
                          precision=lax.Precision.DEFAULT)
    xpn_ref[...] = xpn
    yn_ref[...] = (xpn * dcol).astype(jnp.bfloat16)


@jax.jit
def _tc_mid(xp, y3, parts, degp, gmat, gates, bvec, gam, bet, mu, var, Wn):
    vec = lambda: pl.BlockSpec((1, D), lambda i: (0, 0))
    return pl.pallas_call(
        _mid_body,
        grid=(GRID,),
        in_specs=[
            pl.BlockSpec((BLK, D), lambda i: (i, 0)),
            pl.BlockSpec((BLK, D), lambda i: (i, 0)),
            pl.BlockSpec((NUM_CORES, BLK, D), lambda i: (0, i, 0)),
            pl.BlockSpec((NUM_CORES, BLK, 16), lambda i: (0, i, 0)),
            pl.BlockSpec((D, D), lambda i: (0, 0)),
            pl.BlockSpec(memory_space=pltpu.SMEM),
            vec(), vec(), vec(), vec(), vec(),
            pl.BlockSpec((D, D), lambda i: (0, 0)),
        ],
        out_specs=[
            pl.BlockSpec((BLK, D), lambda i: (i, 0)),
            pl.BlockSpec((BLK, D), lambda i: (i, 0)),
        ],
        out_shape=[
            jax.ShapeDtypeStruct((N_PAD, D), jnp.float32),
            jax.ShapeDtypeStruct((N_PAD, D), jnp.bfloat16),
        ],
    )(xp, y3, parts, degp, gmat, gates, bvec, gam, bet, mu, var, Wn)


def _last_body(xp_ref, y_ref, parts_ref, deg_ref, gmat_ref, gate_ref, b_ref,
               out_ref):
    i = pl.program_id(0)
    out, _ = _combine_core(xp_ref, y_ref, parts_ref, deg_ref, gmat_ref,
                           gate_ref, b_ref, i)
    out_ref[...] = out


@jax.jit
def _tc_last(xp, y3, parts, degp, gmat, gates, bvec):
    return pl.pallas_call(
        _last_body,
        grid=(GRID,),
        in_specs=[
            pl.BlockSpec((BLK, D), lambda i: (i, 0)),
            pl.BlockSpec((BLK, D), lambda i: (i, 0)),
            pl.BlockSpec((NUM_CORES, BLK, D), lambda i: (0, i, 0)),
            pl.BlockSpec((NUM_CORES, BLK, 16), lambda i: (0, i, 0)),
            pl.BlockSpec((D, D), lambda i: (0, 0)),
            pl.BlockSpec(memory_space=pltpu.SMEM),
            pl.BlockSpec((1, D), lambda i: (0, 0)),
        ],
        out_specs=pl.BlockSpec((BLK, D), lambda i: (i, 0)),
        out_shape=jax.ShapeDtypeStruct((N_PAD, D), jnp.float32),
    )(xp, y3, parts, degp, gmat, gates, bvec)


def kernel(x, edge_index, W1, b1, g1, W2, b2, g2, W3, b3, g3,
           bn1_gamma, bn1_beta, bn1_mean, bn1_var,
           bn2_gamma, bn2_beta, bn2_mean, bn2_var):
    pad_idx = N + (jnp.arange(E_PAD - E, dtype=jnp.int32) % (N_PAD - N))
    src_flat = jnp.concatenate([edge_index[0], pad_idx])
    dst_flat = jnp.concatenate([edge_index[1], pad_idx])
    x_pad = jnp.concatenate(
        [x, jnp.zeros((N_PAD - N, D), dtype=jnp.float32)], axis=0)
    ones_rows = jnp.ones((AGGW, 16), jnp.float32)

    degp = _sc_degree(dst_flat, ones_rows)
    xp, gmat1 = _tc_xp_gram(x_pad, W1)
    y3 = _tc_y(xp, degp)

    bn = [(bn1_gamma, bn1_beta, bn1_mean, bn1_var),
          (bn2_gamma, bn2_beta, bn2_mean, bn2_var)]
    row = lambda v: v.reshape(1, D)

    for lyr, (gate, bvec, Wn) in enumerate(((g1, b1, W2), (g2, b2, W3))):
        parts = _sc_aggregate(y3, src_flat, dst_flat)
        gmat = gmat1 if lyr == 0 else _tc_gram(xp)
        gam, bet, mu, var = bn[lyr]
        xp, y3 = _tc_mid(xp, y3, parts, degp, gmat, jax.nn.softmax(gate),
                         row(bvec), row(gam), row(bet), row(mu), row(var), Wn)

    parts = _sc_aggregate(y3, src_flat, dst_flat)
    gmat = _tc_gram(xp)
    out = _tc_last(xp, y3, parts, degp, gmat, jax.nn.softmax(g3), row(b3))
    return out[:N]

# --- scband reference (transcript-rebuilt; emitter-appended) ---
"""Pipeline reference for scband-rsam-22608707846224 (READ-ONLY COPY).

The authoritative reference and input builder live on the scoring server;
editing this copy changes nothing except your own understanding.
"""

import jax, jax.numpy as jnp
import numpy as np

N = 10000
E = 320000
D = 128

def _gcn_norm(edge_index, n):
    loop = jnp.arange(n, dtype=edge_index.dtype)
    src = jnp.concatenate([edge_index[0], loop])
    dst = jnp.concatenate([edge_index[1], loop])
    ew = jnp.ones(src.shape[0], dtype=jnp.float32)
    deg = jnp.zeros((n,), dtype=jnp.float32).at[dst].add(ew)
    dinv = jnp.where(deg > 0, jax.lax.rsqrt(jnp.maximum(deg, 1e-12)), 0.0)
    norm = dinv[src] * ew * dinv[dst]
    return src, dst, norm

def _rsam_prop(x, src, dst, norm, W, b, gate):
    g = jax.nn.softmax(gate)
    zeta, eta, theta = g[0], g[1], g[2]
    xp = x @ W.T
    res = zeta * xp
    msg = norm[:, None] * jnp.take(xp, src, axis=0)
    agg = eta * jnp.zeros_like(xp).at[dst].add(msg)
    red = theta * (xp @ (xp.T @ xp))
    return res + agg - red + b

def _bn_eval(x, gamma, beta, mean, var, eps=1e-5):
    return (x - mean) * jax.lax.rsqrt(var + eps) * gamma + beta

def setup_inputs(seed: int = 0):
    key = jax.random.key(seed)
    ks = jax.random.split(key, 12)
    glorot = float(np.sqrt(2.0 / (D + D)))
    inp = {
        "x": jax.random.normal(ks[0], (N, D), dtype=jnp.float32),
        "edge_index": jax.random.randint(ks[1], (2, E), 0, N, dtype=jnp.int32),
    }
    for i in range(3):
        inp["W%d" % (i + 1)] = jax.random.normal(ks[2 + i], (D, D), dtype=jnp.float32) * glorot
        inp["b%d" % (i + 1)] = jnp.zeros((D,), dtype=jnp.float32)
        inp["g%d" % (i + 1)] = jax.random.normal(ks[5 + i], (3,), dtype=jnp.float32)
    for j in range(2):
        inp["bn%d_gamma" % (j + 1)] = jnp.ones((D,), dtype=jnp.float32)
        inp["bn%d_beta" % (j + 1)] = jnp.zeros((D,), dtype=jnp.float32)
        inp["bn%d_mean" % (j + 1)] = jnp.zeros((D,), dtype=jnp.float32)
        inp["bn%d_var" % (j + 1)] = jnp.ones((D,), dtype=jnp.float32)
    return inp

def reference(x, edge_index, W1, b1, g1, W2, b2, g2, W3, b3, g3, bn1_gamma, bn1_beta, bn1_mean, bn1_var, bn2_gamma, bn2_beta, bn2_mean, bn2_var):
    n = x.shape[0]
    src, dst, norm = _gcn_norm(edge_index, n)
    h = _rsam_prop(x, src, dst, norm, W1, b1, g1)
    h = _bn_eval(h, bn1_gamma, bn1_beta, bn1_mean, bn1_var)
    h = jax.nn.relu(h)
    h = _rsam_prop(h, src, dst, norm, W2, b2, g2)
    h = _bn_eval(h, bn2_gamma, bn2_beta, bn2_mean, bn2_var)
    h = jax.nn.relu(h)
    out = _rsam_prop(h, src, dst, norm, W3, b3, g3)
    return out

if __name__ == "__main__":
    import jax
    _d = setup_inputs()
    print(jax.jit(kernel)(*tuple(_d.values())))

</pallas_src>

<mosaic_0001>
#map = affine_map<(d0, d1) -> (0)>
#map1 = affine_map<(d0, d1) -> (0, 0)>
#map2 = affine_map<(d0, d1) -> (0, 0, 0)>
module attributes {stable_mosaic.version = 14 : i64} {
  func.func @deg_kernel(%arg0: i32, %arg1: i32, %arg2: memref<327680xi32, #tpu.memory_space<hbm>>, %arg3: memref<256x16xf32, #tpu.memory_space<hbm>>, %arg4: memref<2x10240x16xf32, #tpu.memory_space<hbm>>, %arg5: memref<10240xi32, #tpu.memory_space<vmem>>, %arg6: memref<256x16xf32, #tpu.memory_space<vmem>>, %arg7: memref<128x16xf32, #tpu.memory_space<vmem>>, %arg8: memref<10240x16xf32, #tpu.memory_space<vmem_shared>>) attributes {dimension_semantics = [#tpu.dimension_semantics<core_parallel>, #tpu.dimension_semantics<subcore_parallel>], iteration_bounds = array<i64: 2, 16>, scalar_prefetch = 0 : i64, scratch_operands = 4 : i64, tpu.core_type = #tpu.core_type<sc_vector_subcore>, window_params = [{transform_indices = #map}, {transform_indices = #map1}, {transform_indices = #map2}]} {
    %mul3A = arith.constant 16 : i32
    %mul3A_0 = arith.muli %arg0, %mul3A : i32
    %add3A = arith.addi %mul3A_0, %arg1 : i32
    %scan3A = arith.constant 0 : i32
    %scan3A_1 = arith.constant 128 : i32
    %scan3A_2 = arith.addi %scan3A, %scan3A_1 : i32
    %scan3A_3 = arith.constant 1 : i32
    scf.for %scan3A_20 = %scan3A to %scan3A_2 step %scan3A_3  : i32 {
      %mul3A_21 = arith.constant 1 : i32
      %mul3A_22 = arith.muli %scan3A_20, %mul3A_21 : i32
      %add3A_23 = arith.constant 0 : i32
      %add3A_24 = arith.addi %add3A_23, %mul3A_22 : i32
      %scan3A_25 = arith.constant 0 : i32
      %mul3A_26 = arith.constant 16 : i32
      %mul3A_27 = arith.muli %scan3A_25, %mul3A_26 : i32
      %add3A_28 = arith.constant 0 : i32
      %add3A_29 = arith.addi %add3A_28, %mul3A_27 : i32
      %broadcast_in_dim3A = arith.constant 0.000000e+00 : f32
      %broadcast_in_dim3A_30 = vector.broadcast %broadcast_in_dim3A : f32 to vector<16xf32>
      %swap3A = arith.index_cast %add3A_24 : i32 to index
      %swap3A_31 = arith.index_cast %add3A_29 : i32 to index
      %swap3A_32 = tpu.vector_load %arg7[%swap3A, %swap3A_31] {strides = array<i32>} : memref<128x16xf32, #tpu.memory_space<vmem>>, vector<1x16xf32>,
      %swap3A_33 = vector.shape_cast %swap3A_32 : vector<1x16xf32> to vector<16xf32>
      %swap3A_34 = vector.shape_cast %broadcast_in_dim3A_30 : vector<16xf32> to vector<1x16xf32>
      tpu.vector_store %arg7[%swap3A, %swap3A_31], %swap3A_34 {strides = array<i32>} : memref<128x16xf32, #tpu.memory_space<vmem>>, vector<1x16xf32>,
      %scan3A_35 = arith.constant 1 : i32
    }
    %scan3A_4 = arith.constant 128 : i32
    %mul3A_5 = arith.constant 640 : i32
    %mul3A_6 = arith.muli %arg1, %mul3A_5 : i32
    %scan3A_7 = arith.constant 0 : i32
    %scan3A_8 = arith.constant 5 : i32
    %scan3A_9 = arith.addi %scan3A_7, %scan3A_8 : i32
    %scan3A_10 = arith.constant 1 : i32
    scf.for %scan3A_20 = %scan3A_7 to %scan3A_9 step %scan3A_10  : i32 {
      %mul3A_21 = arith.constant 128 : i32
      %mul3A_22 = arith.muli %scan3A_20, %mul3A_21 : i32
      %add3A_23 = arith.constant 0 : i32
      %add3A_24 = arith.addi %add3A_23, %mul3A_22 : i32
      %add3A_25 = arith.addi %mul3A_6, %add3A_24 : i32
      "tpu.region"() ({
        %run_scoped3A = tpu.sem_alloc : memref<!tpu.dma_semaphore, #tpu.memory_space<semaphore_mem>>
        %dma_start3A = arith.constant 0 : i32
        %dma_start3A_26 = tpu.memref_slice %arg8[%add3A_25, %dma_start3A] : memref<10240x16xf32, #tpu.memory_space<vmem_shared>> -> memref<128x16xf32, #tpu.memory_space<vmem_shared>>
        %dma_start3A_27 = arith.constant 0 : i32
        %dma_start3A_28 = tpu.memref_slice %arg8[%add3A_25, %dma_start3A_27] : memref<10240x16xf32, #tpu.memory_space<vmem_shared>> -> memref<128x16xf32, #tpu.memory_space<vmem_shared>>
        tpu.enqueue_dma source(%arg7 : memref<128x16xf32, #tpu.memory_space<vmem>>) target(%dma_start3A_28 : memref<128x16xf32, #tpu.memory_space<vmem_shared>>) target_semaphore(%run_scoped3A : memref<!tpu.dma_semaphore, #tpu.memory_space<semaphore_mem>>)
        %dma_wait3A = arith.constant 0 : i32
        %dma_wait3A_29 = tpu.memref_slice %arg8[%add3A_25, %dma_wait3A] : memref<10240x16xf32, #tpu.memory_space<vmem_shared>> -> memref<128x16xf32, #tpu.memory_space<vmem_shared>>
        %dma_wait3A_30 = arith.constant 0 : i32
        %dma_wait3A_31 = tpu.memref_slice %arg8[%add3A_25, %dma_wait3A_30] : memref<10240x16xf32, #tpu.memory_space<vmem_shared>> -> memref<128x16xf32, #tpu.memory_space<vmem_shared>>
        tpu.wait_dma2 semaphore(%run_scoped3A : memref<!tpu.dma_semaphore, #tpu.memory_space<semaphore_mem>>) src(%arg7 : memref<128x16xf32, #tpu.memory_space<vmem>>) dst(%dma_wait3A_31 : memref<128x16xf32, #tpu.memory_space<vmem_shared>>)
        tpu.yield
      }) : () -> ()
    }
    %scan3A_11 = arith.constant 5 : i32
    "tpu.region"() ({
      %run_scoped3A = tpu.sem_alloc : memref<!tpu.dma_semaphore, #tpu.memory_space<semaphore_mem>>
      tpu.enqueue_dma source(%arg3 : memref<256x16xf32, #tpu.memory_space<hbm>>) target(%arg6 : memref<256x16xf32, #tpu.memory_space<vmem>>) target_semaphore(%run_scoped3A : memref<!tpu.dma_semaphore, #tpu.memory_space<semaphore_mem>>)
      tpu.wait_dma2 semaphore(%run_scoped3A : memref<!tpu.dma_semaphore, #tpu.memory_space<semaphore_mem>>) src(%arg3 : memref<256x16xf32, #tpu.memory_space<hbm>>) dst(%arg6 : memref<256x16xf32, #tpu.memory_space<vmem>>)
      tpu.yield
    }) : () -> ()
    %mul3A_12 = arith.constant 10240 : i32
    %mul3A_13 = arith.muli %add3A, %mul3A_12 : i32
    "tpu.region"() ({
      %run_scoped3A = tpu.sem_alloc : memref<!tpu.dma_semaphore, #tpu.memory_space<semaphore_mem>>
      %dma_start3A = tpu.memref_slice %arg2[%mul3A_13] : memref<327680xi32, #tpu.memory_space<hbm>> -> memref<10240xi32, #tpu.memory_space<hbm>>
      %dma_start3A_20 = tpu.memref_slice %arg2[%mul3A_13] : memref<327680xi32, #tpu.memory_space<hbm>> -> memref<10240xi32, #tpu.memory_space<hbm>>
      tpu.enqueue_dma source(%dma_start3A_20 : memref<10240xi32, #tpu.memory_space<hbm>>) target(%arg5 : memref<10240xi32, #tpu.memory_space<vmem>>) target_semaphore(%run_scoped3A : memref<!tpu.dma_semaphore, #tpu.memory_space<semaphore_mem>>)
      %dma_wait3A = tpu.memref_slice %arg2[%mul3A_13] : memref<327680xi32, #tpu.memory_space<hbm>> -> memref<10240xi32, #tpu.memory_space<hbm>>
      %dma_wait3A_21 = tpu.memref_slice %arg2[%mul3A_13] : memref<327680xi32, #tpu.memory_space<hbm>> -> memref<10240xi32, #tpu.memory_space<hbm>>
      tpu.wait_dma2 semaphore(%run_scoped3A : memref<!tpu.dma_semaphore, #tpu.memory_space<semaphore_mem>>) src(%dma_wait3A_21 : memref<10240xi32, #tpu.memory_space<hbm>>) dst(%arg5 : memref<10240xi32, #tpu.memory_space<vmem>>)
      tpu.yield
    }) : () -> ()
    %barrier3A = arith.constant 0 : index
    tpu.barrier barrier_id(%barrier3A)
    %scan3A_14 = arith.constant 0 : i32
    %scan3A_15 = arith.constant 40 : i32
    %scan3A_16 = arith.addi %scan3A_14, %scan3A_15 : i32
    %scan3A_17 = arith.constant 1 : i32
    scf.for %scan3A_20 = %scan3A_14 to %scan3A_16 step %scan3A_17  : i32 {
      %mul3A_21 = arith.constant 1 : i32
      %mul3A_22 = arith.muli %scan3A_20, %mul3A_21 : i32
      %add3A_23 = arith.constant 0 : i32
      %add3A_24 = arith.addi %add3A_23, %mul3A_22 : i32
      %mul3A_25 = arith.constant 256 : i32
      %mul3A_26 = arith.muli %add3A_24, %mul3A_25 : i32
      "tpu.region"() ({
        %run_scoped3A = tpu.sem_alloc : memref<!tpu.dma_semaphore, #tpu.memory_space<semaphore_mem>>
        %dma_start3A = tpu.memref_slice %arg5[%mul3A_26] : memref<10240xi32, #tpu.memory_space<vmem>> -> memref<256xi32, #tpu.memory_space<vmem>>
        %dma_start3A_27 = arith.constant 0 : i32
        %dma_start3A_28 = arith.constant 0 : i32
        %dma_start3A_29 = tpu.memref_slice %arg8[%dma_start3A_27, %dma_start3A_28] : memref<10240x16xf32, #tpu.memory_space<vmem_shared>> -> memref<10240x16xf32, #tpu.memory_space<vmem_shared>>
        tpu.enqueue_indirect_dma source(%arg6 : memref<256x16xf32, #tpu.memory_space<vmem>>) target(%dma_start3A_29 : memref<10240x16xf32, #tpu.memory_space<vmem_shared>>) offsets(%dma_start3A : memref<256xi32, #tpu.memory_space<vmem>>) semaphore(%run_scoped3A : memref<!tpu.dma_semaphore, #tpu.memory_space<semaphore_mem>>) {add = true}
        %dma_wait3A = tpu.memref_slice %arg5[%mul3A_26] : memref<10240xi32, #tpu.memory_space<vmem>> -> memref<256xi32, #tpu.memory_space<vmem>>
        %dma_wait3A_30 = arith.constant 0 : i32
        %dma_wait3A_31 = arith.constant 0 : i32
        %dma_wait3A_32 = tpu.memref_slice %arg8[%dma_wait3A_30, %dma_wait3A_31] : memref<10240x16xf32, #tpu.memory_space<vmem_shared>> -> memref<10240x16xf32, #tpu.memory_space<vmem_shared>>
        tpu.wait_indirect_dma semaphore(%run_scoped3A : memref<!tpu.dma_semaphore, #tpu.memory_space<semaphore_mem>>) src(%arg6 : memref<256x16xf32, #tpu.memory_space<vmem>>) dst(%dma_wait3A_32 : memref<10240x16xf32, #tpu.memory_space<vmem_shared>>)
        tpu.yield
      }) : () -> ()
    }
    %scan3A_18 = arith.constant 40 : i32
    %barrier3A_19 = arith.constant 0 : index
    tpu.barrier barrier_id(%barrier3A_19)
    "tpu.region"() ({
      %run_scoped3A = tpu.sem_alloc : memref<!tpu.dma_semaphore, #tpu.memory_space<semaphore_mem>>
      %dma_start3A = arith.constant 0 : i32
      %dma_start3A_20 = tpu.memref_slice %arg4[%arg0, %mul3A_6, %dma_start3A] : memref<2x10240x16xf32, #tpu.memory_space<hbm>> -> memref<1x640x16xf32, #tpu.memory_space<hbm>>
      %dma_start3A_21 = tpu.memref_squeeze %dma_start3A_20 : memref<1x640x16xf32, #tpu.memory_space<hbm>> -> memref<640x16xf32, #tpu.memory_space<hbm>>
      %dma_start3A_22 = arith.constant 0 : i32
      %dma_start3A_23 = tpu.memref_slice %arg8[%mul3A_6, %dma_start3A_22] : memref<10240x16xf32, #tpu.memory_space<vmem_shared>> -> memref<640x16xf32, #tpu.memory_space<vmem_shared>>
      tpu.enqueue_dma source(%dma_start3A_23 : memref<640x16xf32, #tpu.memory_space<vmem_shared>>) target(%dma_start3A_21 : memref<640x16xf32, #tpu.memory_space<hbm>>) target_semaphore(%run_scoped3A : memref<!tpu.dma_semaphore, #tpu.memory_space<semaphore_mem>>)
      %dma_wait3A = arith.constant 0 : i32
      %dma_wait3A_24 = tpu.memref_slice %arg4[%arg0, %mul3A_6, %dma_wait3A] : memref<2x10240x16xf32, #tpu.memory_space<hbm>> -> memref<1x640x16xf32, #tpu.memory_space<hbm>>
      %dma_wait3A_25 = tpu.memref_squeeze %dma_wait3A_24 : memref<1x640x16xf32, #tpu.memory_space<hbm>> -> memref<640x16xf32, #tpu.memory_space<hbm>>
      %dma_wait3A_26 = arith.constant 0 : i32
      %dma_wait3A_27 = tpu.memref_slice %arg8[%mul3A_6, %dma_wait3A_26] : memref<10240x16xf32, #tpu.memory_space<vmem_shared>> -> memref<640x16xf32, #tpu.memory_space<vmem_shared>>
      tpu.wait_dma2 semaphore(%run_scoped3A : memref<!tpu.dma_semaphore, #tpu.memory_space<semaphore_mem>>) src(%dma_wait3A_27 : memref<640x16xf32, #tpu.memory_space<vmem_shared>>) dst(%dma_wait3A_25 : memref<640x16xf32, #tpu.memory_space<hbm>>)
      tpu.yield
    }) : () -> ()
    return
  }
}

</mosaic_0001>

<sc_bundles>
// kernel: _sc_degree.3.cloned.1.call-start
scs
__scs_entry_jumppad:
0x0: {  	(pc) =	sbr.rel $0x88, $3  }
0x1: {  	(tag) =	ssettag $0x0;
	lr =	simm.s32 $0x1  }
0x2: {  	[smem:$0x3F9F] =	sst lr;
	_ =	strace $0xD0000000  }
0x3: {  	_ = 	snop  }
0x4: {  	_ = 	snop  }
0x5: {  	_ = 	snop  }
0x6: {  	_ = 	snop  }
0x7: {  	_ = 	snop  }
__scs_overlays_trampoline_lowered:
0x8: {  	[smem:$0x3FAE] =	sst s0  }
0x9: {  	[smem:$0x3FAF] =	sst s1  }
0xa: {  	[smem:$0x3FB0] =	sst s2  }
0xb: {  	[smem:$0x3FB1] =	sst s3  }
0xc: {  	[smem:$0x3FB2] =	sst s4  }
0xd: {  	[smem:$0x3FB3] =	sst s5  }
0xe: {  	[smem:$0x3FB4] =	sst s6  }
0xf: {  	[smem:$0x3FB5] =	sst s7  }
0x10: {  	[smem:$0x3FB6] =	sst s8  }
0x11: {  	[smem:$0x3FB7] =	sst s9;
	s0 =	simm.s32 @!p0 $0x0  }
0x12: {  	s1 =	sld [smem:$0x3F9D];
	s0 =	simm.s32 @p0 $0x1  }
0x13: {  	[smem:$0x3FB8] =	sst s0;
	s0 =	simm.s32 @!p1 $0x0  }
0x14: {  	s2 =	sld [smem:$0x3F9C];
	s0 =	simm.s32 @p1 $0x1  }
0x15: {  	[smem:$0x3FB9] =	sst s0;
	s0 =	simm.s32 @!p2 $0x0  }
0x16: {  	s3 =	sld [smem:$0x3FDB];
	s0 =	simm.s32 @p2 $0x1  }
0x17: {  	s4 =	simm.s32 $0x1BF5;
	[smem:$0x3FBB] =	sst s0  }
0x18: {  	s0 =	sld [smem:$0x3F9E];
	_ =	swait.ge [sflag:s4], $0x0  }
0x19: {  	s7 =	sld [smem:$0x3F9F]  }
0x1a: {  	s8 =	sadd.s32 $0xFFFFE003, lr  }
0x1b: {  	s9 =	sadd.s32 $0xFFFFFEF7, lr;
	s5 =	simm.s32 $0xFFFFFFFF;
	p2 =	slt.u32 s8, $0xFFFFF086  }
0x1c: {  	p1 =	slt.u32 s9, $0xF7A;
	s5 =	simm.s32 @!p2 $0x0  }
0x1d: {  	s5 =	simm.s32 @p1 $0x1;
	p0 =	seq.s32 s7, s2  }
0x1e: {  	s7 =	smul.u32 @!p0 $0xF7A, s2;
	p2 =	seq.s32 @!p0 s5, $0x0  }
0x1f: {  	s9 =	smul.u32 $0xF7A, s1;
	s8 =	simm.s32 @!p0 $0x1BF5;
	p2 =	por !p2, p0  }
0x20: {  	[sflag:s8] =	ssyncset.s32 @!p0 $0xFFFFF086;
	s6 =	sadd.s32 @!p0 s3, s7;
	s7 =	simm.s32 @!p0 $0x108  }
0x21: {  	s3 =	sadd.s32 s3, s9;
	s6 =	sadd.s32 @!p0 $0x88, s6;
	s7 =	simm.s32 @p2 $0x1082  }
0x22: {  	[simem:s7], [sflag:s8] =	dma.local @!p0 [hbm:s6], $0xF7A  }
0x23: {  	s9 =	sor.u32 $0xD0000000, s2;
	s6 =	simm.s32 $0x108;
	_ =	swait.ge @!p0 [sflag:s8], $0x0  }
0x24: {  	s3 =	sadd.s32 $0x88, s3;
	s6 =	simm.s32 @!p1 $0x1082;
	[sflag:s4] =	ssyncset.s32 $0xFFFFF086  }
0x25: {  	[simem:s6], [sflag:s4] =	dma.local [hbm:s3], $0xF7A  }
0x26: {  	[smem:$0x3F9F] =	sst s1;
	(tag) =	ssettag s2;
	_ =	strace s9  }
0x27: {  	s1 =	sld [smem:$0x3FAF]  }
0x28: {  	s2 =	sld [smem:$0x3FB0]  }
0x29: {  	s4 =	sld [smem:$0x3FB2]  }
0x2a: {  	p0 =	seq.s32 s5, $0x0;
	s5 =	sld [smem:$0x3FB3]  }
0x2b: {  	s6 =	sld [smem:$0x3FB4]  }
0x2c: {  	s7 =	sld [smem:$0x3FB5]  }
0x2d: {  	s3 =	simm.s32 $0x108;
	s8 =	sld [smem:$0x3FB6]  }
0x2e: {  	s3 =	simm.s32 @!p0 $0x1082;
	s9 =	sld [smem:$0x3FB7]  }
0x2f: {  	lr =	sadd.s32 s0, s3;
	s0 =	sld [smem:$0x3FAE]  }
0x30: {  	s3 =	sld [smem:$0x3FB1]  }
0x31: {  	[smem:$0x3FBA] =	sst s10  }
0x32: {  	s10 =	sld [smem:$0x3FB8];
	_ =	sdelay $0x3  }
0x33: {  	p0 =	seq.s32 s10, $0x1;
	s10 =	sld [smem:$0x3FBA];
	_ =	sdelay $0x3  }
0x34: {  	[smem:$0x3FBA] =	sst s10  }
0x35: {  	s10 =	sld [smem:$0x3FB9];
	_ =	sdelay $0x3  }
0x36: {  	p1 =	seq.s32 s10, $0x1;
	s10 =	sld [smem:$0x3FBA];
	_ =	sdelay $0x3  }
0x37: {  	[smem:$0x3FBA] =	sst s10  }
0x38: {  	s10 =	sld [smem:$0x3FBB]  }
0x39: {  	_ = 	snop;
	(pc) =	sbr.ind lr, $3  }
0x3a: {  	_ = 	snop  }
0x3b: {  	_ = 	snop  }
0x3c: {  	p2 =	seq.s32 s10, $0x1;
	s10 =	sld [smem:$0x3FBA]  }
0x3d: {  	_ =	shalt  }
0x3e: {  	_ =	shalt  }
0x3f: {  	_ =	shalt  }
0x40: {  	_ =	shalt  }
0x41: {  	_ =	shalt  }
0x42: {  	_ =	shalt  }
0x43: {  	_ =	shalt  }
0x44: {  	_ =	shalt  }
0x45: {  	_ =	shalt  }
0x46: {  	_ =	shalt  }
0x47: {  	_ =	shalt  }
0x48: {  	_ =	shalt  }
0x49: {  	_ =	shalt  }
0x4a: {  	_ =	shalt  }
0x4b: {  	_ =	shalt  }
0x4c: {  	_ =	shalt  }
0x4d: {  	_ =	shalt  }
0x4e: {  	_ =	shalt  }
0x4f: {  	_ =	shalt  }
0x50: {  	_ =	shalt  }
0x51: {  	_ =	shalt  }
0x52: {  	_ =	shalt  }
0x53: {  	_ =	shalt  }
0x54: {  	_ =	shalt  }
0x55: {  	_ =	shalt  }
0x56: {  	_ =	shalt  }
0x57: {  	_ =	shalt  }
0x58: {  	_ =	shalt  }
0x59: {  	_ =	shalt  }
0x5a: {  	_ =	shalt  }
0x5b: {  	_ =	shalt  }
0x5c: {  	_ =	shalt  }
0x5d: {  	_ =	shalt  }
0x5e: {  	_ =	shalt  }
0x5f: {  	_ =	shalt  }
0x60: {  	_ =	shalt  }
0x61: {  	_ =	shalt  }
0x62: {  	_ =	shalt  }
0x63: {  	_ =	shalt  }
0x64: {  	_ =	shalt  }
0x65: {  	_ =	shalt  }
0x66: {  	_ =	shalt  }
0x67: {  	_ =	shalt  }
0x68: {  	_ =	shalt  }
0x69: {  	_ =	shalt  }
0x6a: {  	_ =	shalt  }
0x6b: {  	_ =	shalt  }
0x6c: {  	_ =	shalt  }
0x6d: {  	_ =	shalt  }
0x6e: {  	_ =	shalt  }
0x6f: {  	_ =	shalt  }
0x70: {  	_ =	shalt  }
0x71: {  	_ =	shalt  }
0x72: {  	_ =	shalt  }
0x73: {  	_ =	shalt  }
0x74: {  	_ =	shalt  }
0x75: {  	_ =	shalt  }
0x76: {  	_ =	shalt  }
0x77: {  	_ =	shalt  }
0x78: {  	_ =	shalt  }
0x79: {  	_ =	shalt  }
0x7a: {  	_ =	shalt  }
0x7b: {  	_ =	shalt  }
0x7c: {  	_ =	shalt  }
0x7d: {  	_ =	shalt  }
0x7e: {  	_ =	shalt  }
0x7f: {  	_ =	shalt  }
0x80: {  	_ =	shalt  }
0x81: {  	_ =	shalt  }
0x82: {  	_ =	shalt  }
0x83: {  	_ =	shalt  }
0x84: {  	_ =	shalt  }
0x85: {  	_ =	shalt  }
0x86: {  	_ =	shalt  }
0x87: {  	_ =	shalt  }
.Lfunc_end0:
.L_simem_size_0:
called_computation_lowered:
.L_overlay_start_0:
0x88: {  	s2 =	sld [smem:$0x3FD9]  }
0x89: {  	s3 =	sld [smem:$0x3FFE];
	_ =	sdelay $0x1  }
0x8a: {  	s1 =	srdreg.scid  }
0x8b: {  	s0 =	sand.u32 $0x1, s1  }
0x8c: {  	s17 =	sshll.u32 s0, $0xA;
	s2 =	sadd.s32 s3, s2  }
0x8d: {  	s2 =	sadd.s32 s2, s17  }
0x8e: {  	[smem:$0x3FC6] =	sst s2  }
0x8f: {  	_ = 	snop  }
0x90: {  	s2 =	sld [smem:$0x3FC9]  }
0x91: {  	s18 =	sld [smem:$0x3FD0];
	(tm) =	ssettm $0x1  }
0x92: {  	s4 =	sld [smem:$0x3FFB];
	_ =	sdelay $0x3  }
0x93: {  	_ =	strace s4  }
0x94: {  	s4 =	sld [smem:$0x3FFC];
	_ =	sdelay $0x3  }
0x95: {  	_ =	strace s4  }
0x96: {  	s4 =	sld [smem:$0x3FFD];
	_ =	sdelay $0x3  }
0x97: {  	_ =	strace s4  }
0x98: {  	_ =	strace $0x8FFFFFFF  }
0x99: {  	s19 =	sld [smem:$0x3FDB];
	_ =	sdelay $0x1  }
0x9a: {  	s5 =	simm.s32 $_scs_section_size  }
0x9b: {  	s6 =	simm.s32 $_size__tile_overlayer_lowered;
	s7 =	simm.s32 $_tile_overlayer_lowered  }
0x9c: {  	s22 =	simm.s32 $0x1BFF;
	s21 =	sshll.u32 s7, $0x1;
	s4 =	sadd.s32 s5, s19  }
0x9d: {  	s8 =	simm.s32 $0x0;
	s20 =	sshll.u32 s6, $0x1;
	s6 =	sadd.s32 s21, s4  }
0x9e: {  	[timem:s8], [sflag:s22] =	dma.local [hbm:s6], s20  }
0x9f: {  	_ =	swait.ge [sflag:s22], s20  }
0xa0: {  	s5 =	ssub.s32 $0x0, s20;
	[sflag:s22] =	ssyncset.done $0x0  }
0xa1: {  	[sflag:s22] =	ssyncadd.s32 s5;
	_ =	sdelay $0x1  }
0xa2: {  	s23 =	simm.s32 $0x1B8B  }
0xa3: {  	_ =	swait.ge [sflag:s23], $0x1  }
0xa4: {  	[sflag:s23] =	ssyncset.done $0x0  }
0xa5: {  	s25 =	simm.s32 $0x1B8E;
	s24 =	sld [smem:$0x3FFE];
	[sflag:s23] =	ssyncadd.s32 $0xFFFFFFFF  }
0xa6: {  	s26 =	simm.s32 $execute0_lowered;
	[smem:$0x3FD2] =	sst s25  }
0xa7: {  	s6 =	sshll.u32 s26, $0x1;
	_ =	strace $0x80000046;
	[dreg:$0x1] =	wrdreg $0xFFFFFFFF  }
0xa8: {  	s28 =	simm.s32 $_size_execute0_lowered;
	s4 =	sadd.s32 s4, s6;
	[dreg:$0x0] =	wrdreg $0x0  }
0xa9: {  	s6 =	sshll.u32 s28, $0x1;
	[dreg:$0x2] =	wrdreg s4  }
0xaa: {  	[dreg:$0x3] =	wrdreg s6  }
0xab: {  	[dreg:$0x4] =	wrdreg $0xC0  }
0xac: {  	_ =	task [dreg:s8], $0x5FFFF  }
0xad: {  	[dreg:$0x1] =	wrdreg $0xFFFFFFFF  }
0xae: {  	[dreg:$0x0] =	wrdreg $0x60  }
0xaf: {  	[dreg:$0x2] =	wrdreg s2  }
0xb0: {  	[dreg:$0x3] =	wrdreg s24  }
0xb1: {  	[dreg:$0x4] =	wrdreg s18  }
0xb2: {  	[dreg:$0x5] =	wrdreg $0x40000  }
0xb3: {  	[dreg:$0x6] =	wrdreg $0x9  }
0xb4: {  	_ =	task.clear_ibuf [dreg:s8], $0x7FFFF;
	_ =	strace $0x90000046  }
0xb5: {  	s29 =	simm.s32 $0x9;
	_ =	strace $0x80000048  }
0xb6: {  	_ =	swait.ge [sflag:s29], $0x1  }
0xb7: {  	[sflag:s29] =	ssyncadd.s32 $0xFFFFFFFF  }
0xb8: {  	_ =	strace $0x90000048  }
0xb9: {  	_ =	sfence  }
0xba: {  	s30 =	sld [smem:$0x0];
	_ =	sdelay $0x2  }
0xbb: {  	s31 =	sshll.u32 s1, $0xD;
	s1 =	sshrl.u32 s1, $0x2  }
0xbc: {  	s3 =	sand.u32 $0x4000, s31;
	s1 =	sadd.s32 s1, s30  }
0xbd: {  	s0 =	sor.u32 s3, s0;
	s1 =	sshll.u32 s1, $0x11  }
0xbe: {  	s0 =	sor.u32 s1, s0  }
0xbf: {  	s0 =	sadd.s32 $0x8F2B, s0  }
0xc0: {  	[sflag:s0] =	ssyncadd.remote.s32 $0x1  }
0xc1: {  	_ =	sfence.sel $0xFFFF  }
0xc2: {  	[dreg:$0x0] =	wrdreg $0xFFFFFFFF;
	(pc) =	sbr.abs _section_cstart, $3  }
0xc3: {  	[dreg:$0x1] =	wrdreg $0xFFFFFFFF  }
0xc4: {  	_ =	task.clear_ibuf [dreg:s8], $0x2FFFF;
	_ =	strace $0x9FFFFFFF  }
0xc5: {  	(tm) =	ssettm $0x7FFFFFFF  }
tec
execute0_lowered:
.L_overlay_start_1:
0x0: {  	(tag) =	ssettag $0x1  }
0x1: {  	s6 =	rddreg [dreg:$0x0]  }
0x2: {  	s4 =	rddreg [dreg:$0x1]  }
0x3: {  	s7 =	rddreg [dreg:$0x2]  }
0x4: {  	s2 =	rddreg [dreg:$0x3]  }
0x5: {  	s0 =	rddreg [dreg:$0x4];
	s3 =	simm.s32 $0x0;
	s5 =	srdreg.scid  }
0x6: {  	s1 =	stileid.u32;
	s14 =	simm.s32 $0x1;
	s15 =	simm.s32 $0x2800  }
0x7: {  	s16 =	simm.s32 $0x100;
	[smem:$0x7FF] =	sst s3;
	s8 =	smul.u32 $0xA000, s1  }
0x8: {  	s5 =	sand.u32 $0x1, s5;
	s11 =	smul.u32 $0x2800, s1;
	s4 =	sadd.s32 $0x400, s4  }
0x9: {  	s17 =	sshll.u32 s1, $0x6;
	_ =	strace $0x80000047;
	s9 =	smul.u32 $0x28000, s5  }
0xa: {  	s10 =	ssub.s32 $0x2, s5;
	s5 =	sshll.u32 s5, $0x4;
	s17 =	sor.u32 $0x1C01, s17  }
0xb: {  	s12 =	sshrl.u32 s10, $0x1;
	s5 =	sor.u32 s1, s5;
	s8 =	sshrl.u32 s8, $0x2  }
0xc: {  	s18 =	sadd.s32 s11, s2;
	s13 =	smul.u32 $0x500, s5;
	s9 =	sadd.s32 s11, s9  }
0xd: {  	s10 =	ssub.s32 s10, s12;
	s5 =	sadd.s32 s8, s2;
	s18 =	sshrl.u32 s18, $0x3  }
0xe: {  	s31 =	sshrl.u32 s9, $0x3;
	s8 =	smax.u32 s10, $0x1;
	s9 =	sadd.s32 $0x800, s5  }
0xf: {  	s10 =	sadd.s32 $0x1000, s5;
	s11 =	sadd.s32 $0x1800, s5;
	s12 =	sadd.s32 $0x2000, s5  }
0x10: {  	v0 =	vimm.f32 $0.0e+00;
	s6 =	sadd.s32 s6, s13;
	s7 =	sadd.s32 s7, s31;
	s13 =	simm.s32 $0x3800  }
.LBB2_1:
0x11: {  	s19 =	simm.s32 $0x40;
	s20 =	simm.s32 $0x0  }
.LBB2_2:
0x12: {  	p0 =	sne.s32 s19, $0x1FC0;
	[tilespmem:s20+$0x3800] =	vst v0;
	s20 =	smov.u32 s19;
	s19 =	sadd.s32 $0x40, s19  }
.Ltmp0:
0x13: {  	(pc) =	sbr.rel @p0 .LBB2_2-.Ltmp0, $2  }
0x14: {  	_ =	sdelay $0x2  }
0x15: {  	s20 =	sshra.s32 s20, $0x2  }
0x16: {  	[tilespmem:s20+$0x3800] =	vst v0  }
0x17: {  	[spmem:s5] =	stream.linear.scatter [tilespmem:s13], [sflag:$0x1], $0x800, $0x38;
	[tilespmem:$0x6800] =	vst v63  }
0x18: {  	_ =	swait.ge [sflag:s14], $0x800  }
0x19: {  	[sflag:s14] =	ssyncset.done $0x0  }
0x1a: {  	[sflag:s14] =	ssyncadd.s32 $0xFFFFF800  }
0x1b: {  	[spmem:s9] =	stream.linear.scatter [tilespmem:s13], [sflag:$0x1], $0x800, $0x38;
	[tilespmem:$0x6800] =	vst v63  }
0x1c: {  	_ =	swait.ge [sflag:s14], $0x800  }
0x1d: {  	[sflag:s14] =	ssyncset.done $0x0  }
0x1e: {  	[sflag:s14] =	ssyncadd.s32 $0xFFFFF800  }
0x1f: {  	[spmem:s10] =	stream.linear.scatter [tilespmem:s13], [sflag:$0x1], $0x800, $0x38;
	[tilespmem:$0x6800] =	vst v63  }
0x20: {  	_ =	swait.ge [sflag:s14], $0x800  }
0x21: {  	[sflag:s14] =	ssyncset.done $0x0  }
0x22: {  	[sflag:s14] =	ssyncadd.s32 $0xFFFFF800  }
0x23: {  	[spmem:s11] =	stream.linear.scatter [tilespmem:s13], [sflag:$0x1], $0x800, $0x38;
	[tilespmem:$0x6800] =	vst v63  }
0x24: {  	_ =	swait.ge [sflag:s14], $0x800  }
0x25: {  	[sflag:s14] =	ssyncset.done $0x0  }
0x26: {  	[sflag:s14] =	ssyncadd.s32 $0xFFFFF800  }
0x27: {  	[spmem:s12] =	stream.linear.scatter [tilespmem:s13], [sflag:$0x1], $0x800, $0x38;
	[tilespmem:$0x6800] =	vst v63  }
0x28: {  	_ =	swait.ge [sflag:s14], $0x800  }
0x29: {  	[sflag:s14] =	ssyncset.done $0x0  }
0x2a: {  	s19 =	simm.s32 $0x0;
	[sflag:s14] =	ssyncadd.s32 $0xFFFFF800  }
0x2b: {  	[tilespmem:s15], [sflag:$0x1] =	stream.linear.gather [hbm4b:s4+s19], $0x1000, $0x38;
	[tilespmem:$0x6800] =	vst v63  }
0x2c: {  	_ =	swait.ge [sflag:s14], $0x1000  }
0x2d: {  	[sflag:s14] =	ssyncset.done $0x0  }
0x2e: {  	[sflag:s14] =	ssyncadd.s32 $0xFFFFF000  }
0x2f: {  	[tilespmem:s19], [sflag:$0x1] =	stream.linear.gather [hbm4b:s6+s19], $0x2800, $0x38;
	[tilespmem:$0x6800] =	vst v63  }
0x30: {  	_ =	swait.ge [sflag:s14], $0x2800  }
0x31: {  	[sflag:s14] =	ssyncset.done $0x0  }
0x32: {  	[sflag:s14] =	ssyncadd.s32 $0xFFFFD800  }
0x33: {  	s31 =	simm.s32 $0x0;
	[bflag:$0x0] =	sbarrier.arrive $0xFFFF  }
0x34: {  	[spmem:s2] =	stream.indirect.scatter.add.f32 [tilespmem:s15], [sflag:$0x1], $0x10, s31, s16, $0xb8;
	[tilespmem:$0x6800] =	vst v63  }
0x35: {  	_ =	swait.ge [sflag:s14], $0x1000  }
0x36: {  	s19 =	simm.s32 $0x400;
	[sflag:s14] =	ssyncset.done $0x0  }
.LBB2_4:
0x37: {  	s20 =	sshra.s32 s19, $0x2;
	[sflag:s14] =	ssyncadd.s32 $0xFFFFF000;
	p0 =	sne.s32 s19, $0x9C00  }
0x38: {  	[spmem:s2] =	stream.indirect.scatter.add.f32 [tilespmem:s15], [sflag:$0x1], $0x10, s20, s16, $0xb8;
	[tilespmem:$0x6800] =	vst v63  }
.Ltmp1:
0x39: {  	_ = 	snop;
	(pc) =	sbr.rel @p0 .LBB2_4-.Ltmp1, $4  }
0x3a: {  	_ = 	snop  }
0x3b: {  	s19 =	sadd.s32 $0x400, s19  }
0x3c: {  	_ =	swait.ge [sflag:s14], $0x1000  }
0x3d: {  	[sflag:s14] =	ssyncset.done $0x0  }
0x3e: {  	s3 =	sadd.s32 $0x1, s3  }
0x3f: {  	[sflag:s14] =	ssyncadd.s32 $0xFFFFF000;
	p0 =	sne.s32 s3, s8  }
.Ltmp2:
0x40: {  	[bflag:$0x0] =	sbarrier.arrive $0xFFFF;
	(pc) =	sbr.rel @p0 .LBB2_1-.Ltmp2, $4  }
0x41: {  	[hbm:s7], [sflag:s17] =	dma.local [spmem:s18], $0x500  }
0x42: {  	_ =	swait.ge [sflag:s14], $0x500  }
0x43: {  	[sflag:s14] =	ssyncset.done $0x0  }
0x44: {  	[sflag:s14] =	ssyncadd.s32 $0xFFFFFB00  }
0x45: {  	_ =	sfence.sel $0x180000  }
0x46: {  	[bflag:$0x0] =	sbarrier.arrive $0xFFFF  }
0x47: {  	p0 =	sne.s32 s1, $0x0;
	_ =	strace $0x90000047  }
0x48: {  	s0 =	sadd.s32 @!p0 $0x100000, s0;
	[bflag:$0x2] =	sbarrier.arrive $0xFFFF  }
0x49: {  	[sflag:s0] =	ssyncadd.tile.s32 @!p0 $0x1;
	_ =	shalt  }
.Lfunc_end2:
_tile_overlayer_lowered:
.L_overlay_start_2:
0x4a: {  	(tag) =	ssettag $0x2  }
0x4b: {  	s0 =	rddreg [dreg:$0x0];
	s2 =	stileid.u32  }
0x4c: {  	s1 =	rddreg [dreg:$0x1];
	p0 =	sne.s32 s2, $0x0  }
0x4d: {  	s3 =	rddreg [dreg:$0x2];
	[bflag:$0x3] =	sbarrier.arrive $0xFFFF;
	s2 =	simm.s32 @!p0 $0x1C01  }
0x4e: {  	[timem:s3], [sflag:s2] =	dma.local @!p0 [hbm:s0], s1  }
0x4f: {  	s0 =	simm.s32 @!p0 $0x1  }
0x50: {  	_ =	swait.ge @!p0 [sflag:s0], s1  }
0x51: {  	s1 =	ssub.s32 @!p0 $0x0, s1;
	[sflag:s0] =	ssyncset.done @!p0 $0x0  }
0x52: {  	[sflag:s0] =	ssyncadd.s32 @!p0 s1  }
0x53: {  	[bflag:$0x3] =	sbarrier.arrive $0xFFFF  }
0x54: {  	_ =	shalt  }

</sc_bundles>
